<compile_context>
chip_gen: v7x
topology: tpu7x:2x2x1
jax: 0.10.2.dev20260603
libtpu: 0.0.44.dev20260713+nightly
codegen_flags: <defaults>
</compile_context>

<pallas_src>
import functools

import jax
import jax.numpy as jnp
from jax import lax
from jax.experimental import pallas as pl
from jax.experimental.pallas import tpu as pltpu
from jax.experimental.pallas import tpu_sc as plsc

C = 9
GAMMA = 2.0
N_BATCH = 8
H = 512
W = 512
BH = 512
SUB = 32
N_PIX = N_BATCH * H * W

NC = 2
NS = 16
L = 16
NW = NC * NS
CHUNK = N_PIX // NW
UNROLL = 8


def _focal_block_kernel(x_ref, t_ref, out_ref, s_ref, se_ref, xt_ref, *, nsteps):
    step = pl.program_id(0) * (H // BH) + pl.program_id(1)

    @pl.when(step == 0)
    def _init():
        s_ref[...] = jnp.zeros_like(s_ref)

    def strip(i, carry):
        r = i * SUB
        ts = t_ref[0, pl.ds(r, SUB), :]
        se = jnp.zeros((SUB, W), jnp.float32)
        xt = jnp.zeros((SUB, W), jnp.float32)
        for c in range(C):
            xc = x_ref[0, c, pl.ds(r, SUB), :]
            se = se + jnp.exp(xc)
            xt = jnp.where(ts == c, xc, xt)
        se_ref[pl.ds(r, SUB), :] = se
        xt_ref[pl.ds(r, SUB), :] = xt
        return carry

    lax.fori_loop(0, BH // SUB, strip, 0)

    t = t_ref[0]
    logp = xt_ref[...] - jnp.log(se_ref[...])
    p = jnp.exp(logp)
    omp = 1.0 - p
    contrib = -(omp * omp) * logp

    for c in range(C - 1):
        s_ref[c, :] += jnp.sum(jnp.where(t == c, contrib, 0.0), axis=0)
    s_ref[C - 1, :] += jnp.sum(contrib, axis=0)

    @pl.when(step == nsteps - 1)
    def _fin():
        s_sums = jnp.sum(s_ref[...], axis=1)
        s8 = s_sums[C - 1] - jnp.sum(s_sums[: C - 1])
        out_ref[0, :] = jnp.concatenate([s_sums[: C - 1], jnp.reshape(s8, (1,))])


@functools.partial(
    pl.kernel,
    mesh=plsc.VectorSubcoreMesh(core_axis_name="c", subcore_axis_name="s"),
    out_type=jax.ShapeDtypeStruct((NW, L), jnp.int32),
    scratch_types=[
        pltpu.VMEM((CHUNK,), jnp.int32),
        pltpu.VMEM((L * L,), jnp.int32),
        pltpu.VMEM((L,), jnp.int32),
    ],
    compiler_params=pltpu.CompilerParams(needs_layout_passes=False),
)
def _hist_sc_kernel(t_hbm, out_hbm, buf_v, table_v, acc_v):
    wid = lax.axis_index("s") * NC + lax.axis_index("c")
    base = wid * CHUNK
    pltpu.sync_copy(t_hbm.at[pl.ds(base, CHUNK)], buf_v)

    zero16 = jnp.zeros((L,), jnp.int32)
    for r in range(L):
        table_v[pl.ds(r * L, L)] = zero16

    lane_off = lax.iota(jnp.int32, 16) * L
    one16 = jnp.ones((L,), jnp.int32)

    def body(i, carry):
        for u in range(UNROLL):
            v = buf_v[pl.ds((i * UNROLL + u) * L, L)]
            plsc.addupdate_scatter(table_v, [v + lane_off], one16)
        return carry

    lax.fori_loop(0, CHUNK // (L * UNROLL), body, 0)

    acc = zero16
    for r in range(L):
        acc = acc + table_v[pl.ds(r * L, L)]
    acc_v[...] = acc
    pltpu.sync_copy(acc_v, out_hbm.at[wid])


@jax.jit
def kernel(inputs, targets):
    t32 = targets.astype(jnp.int32)
    count_rows = _hist_sc_kernel(t32.reshape(-1))

    nh = H // BH
    nsteps = N_BATCH * nh
    s = pl.pallas_call(
        functools.partial(_focal_block_kernel, nsteps=nsteps),
        grid=(N_BATCH, nh),
        in_specs=[
            pl.BlockSpec((1, C, BH, W), lambda b, h: (b, 0, h, 0)),
            pl.BlockSpec((1, BH, W), lambda b, h: (b, h, 0)),
        ],
        out_specs=pl.BlockSpec((1, C), lambda b, h: (0, 0)),
        out_shape=jax.ShapeDtypeStruct((1, C), jnp.float32),
        scratch_shapes=[
            pltpu.VMEM((C, W), jnp.float32),
            pltpu.VMEM((BH, W), jnp.float32),
            pltpu.VMEM((BH, W), jnp.float32),
        ],
        compiler_params=pltpu.CompilerParams(
            dimension_semantics=("arbitrary", "arbitrary"),
        ),
    )(inputs, t32)[0]

    cnt = jnp.sum(count_rows, axis=0)[:C].astype(jnp.float32)
    class_weights = 1.0 / jnp.log(1.1 + cnt / N_PIX)
    return jnp.dot(class_weights, s) / N_PIX

# --- scband reference (transcript-rebuilt; emitter-appended) ---
"""Pipeline reference for scband-focal-loss-11201274708140 (READ-ONLY COPY).

The authoritative reference and input builder live on the scoring server;
editing this copy changes nothing except your own understanding.
"""

import jax, jax.numpy as jnp
import numpy as np

CLASS_NUM = 9
GAMMA = 2.0

def setup_inputs(seed: int = 0) -> dict:
    key = jax.random.key(seed)
    k1, k2 = jax.random.split(key)
    inputs = jax.random.normal(k1, (8, CLASS_NUM, 512, 512), dtype=jnp.float32)
    targets = jax.random.randint(k2, (8, 512, 512), 0, CLASS_NUM)
    return {"inputs": inputs, "targets": targets}

def reference(inputs, targets):
    # flatten targets
    t = targets.reshape(-1)
    # class frequency histogram over the batch (data-dependent weights)
    freq = jnp.bincount(t, length=CLASS_NUM).astype(jnp.float32)
    normHist = freq / jnp.sum(freq)
    classWeights = 1.0 / jnp.log(1.1 + normHist)  # [C]
    # NCHW -> NHWC -> [N, C]
    logits = jnp.transpose(inputs, (0, 2, 3, 1)).reshape(-1, CLASS_NUM)
    P = jax.nn.softmax(logits, axis=1)
    # gather prob of the target class per pixel (equiv. of one-hot mask * P sum)
    probs = jnp.take_along_axis(P, t[:, None], axis=1)  # [N, 1]
    alpha = jnp.take(classWeights, t)[:, None]          # [N, 1]
    log_p = jnp.log(probs)
    G = jnp.power(1.0 - probs, GAMMA)
    batch_loss = -alpha * G * log_p
    loss = jnp.mean(batch_loss)  # size_average=True
    return loss

if __name__ == "__main__":
    import jax
    _d = setup_inputs()
    print(jax.jit(kernel)(*tuple(_d.values())))

</pallas_src>

<mosaic_0001>
#map = affine_map<(d0, d1) -> (0)>
#map1 = affine_map<(d0, d1) -> (0, 0)>
module attributes {stable_mosaic.version = 14 : i64} {
  func.func @_hist_sc_kernel(%arg0: i32, %arg1: i32, %arg2: memref<2097152xi32, #tpu.memory_space<hbm>>, %arg3: memref<32x16xi32, #tpu.memory_space<hbm>>, %arg4: memref<65536xi32, #tpu.memory_space<vmem>>, %arg5: memref<256xi32, #tpu.memory_space<vmem>>, %arg6: memref<16xi32, #tpu.memory_space<vmem>>) attributes {dimension_semantics = [#tpu.dimension_semantics<core_parallel>, #tpu.dimension_semantics<subcore_parallel>], iteration_bounds = array<i64: 2, 16>, scalar_prefetch = 0 : i64, scratch_operands = 3 : i64, tpu.core_type = #tpu.core_type<sc_vector_subcore>, window_params = [{transform_indices = #map}, {transform_indices = #map1}]} {
    %mul3A = arith.constant 2 : i32
    %mul3A_0 = arith.muli %arg1, %mul3A : i32
    %add3A = arith.addi %mul3A_0, %arg0 : i32
    %mul3A_1 = arith.constant 65536 : i32
    %mul3A_2 = arith.muli %add3A, %mul3A_1 : i32
    "tpu.region"() ({
      %run_scoped3A = tpu.sem_alloc : memref<!tpu.dma_semaphore, #tpu.memory_space<semaphore_mem>>
      %dma_start3A = tpu.memref_slice %arg2[%mul3A_2] : memref<2097152xi32, #tpu.memory_space<hbm>> -> memref<65536xi32, #tpu.memory_space<hbm>>
      %dma_start3A_94 = tpu.memref_slice %arg2[%mul3A_2] : memref<2097152xi32, #tpu.memory_space<hbm>> -> memref<65536xi32, #tpu.memory_space<hbm>>
      tpu.enqueue_dma source(%dma_start3A_94 : memref<65536xi32, #tpu.memory_space<hbm>>) target(%arg4 : memref<65536xi32, #tpu.memory_space<vmem>>) target_semaphore(%run_scoped3A : memref<!tpu.dma_semaphore, #tpu.memory_space<semaphore_mem>>)
      %dma_wait3A = tpu.memref_slice %arg2[%mul3A_2] : memref<2097152xi32, #tpu.memory_space<hbm>> -> memref<65536xi32, #tpu.memory_space<hbm>>
      %dma_wait3A_95 = tpu.memref_slice %arg2[%mul3A_2] : memref<2097152xi32, #tpu.memory_space<hbm>> -> memref<65536xi32, #tpu.memory_space<hbm>>
      tpu.wait_dma2 semaphore(%run_scoped3A : memref<!tpu.dma_semaphore, #tpu.memory_space<semaphore_mem>>) src(%dma_wait3A_95 : memref<65536xi32, #tpu.memory_space<hbm>>) dst(%arg4 : memref<65536xi32, #tpu.memory_space<vmem>>)
      tpu.yield
    }) : () -> ()
    %broadcast_in_dim3A = arith.constant 0 : i32
    %broadcast_in_dim3A_3 = vector.broadcast %broadcast_in_dim3A : i32 to vector<16xi32>
    %swap3A = arith.constant 0 : index
    %swap3A_4 = tpu.vector_load %arg5[%swap3A] {strides = array<i32>} : memref<256xi32, #tpu.memory_space<vmem>>, vector<16xi32>,
    tpu.vector_store %arg5[%swap3A], %broadcast_in_dim3A_3 {strides = array<i32>} : memref<256xi32, #tpu.memory_space<vmem>>, vector<16xi32>,
    %swap3A_5 = arith.constant 16 : index
    %swap3A_6 = tpu.vector_load %arg5[%swap3A_5] {strides = array<i32>} : memref<256xi32, #tpu.memory_space<vmem>>, vector<16xi32>,
    tpu.vector_store %arg5[%swap3A_5], %broadcast_in_dim3A_3 {strides = array<i32>} : memref<256xi32, #tpu.memory_space<vmem>>, vector<16xi32>,
    %swap3A_7 = arith.constant 32 : index
    %swap3A_8 = tpu.vector_load %arg5[%swap3A_7] {strides = array<i32>} : memref<256xi32, #tpu.memory_space<vmem>>, vector<16xi32>,
    tpu.vector_store %arg5[%swap3A_7], %broadcast_in_dim3A_3 {strides = array<i32>} : memref<256xi32, #tpu.memory_space<vmem>>, vector<16xi32>,
    %swap3A_9 = arith.constant 48 : index
    %swap3A_10 = tpu.vector_load %arg5[%swap3A_9] {strides = array<i32>} : memref<256xi32, #tpu.memory_space<vmem>>, vector<16xi32>,
    tpu.vector_store %arg5[%swap3A_9], %broadcast_in_dim3A_3 {strides = array<i32>} : memref<256xi32, #tpu.memory_space<vmem>>, vector<16xi32>,
    %swap3A_11 = arith.constant 64 : index
    %swap3A_12 = tpu.vector_load %arg5[%swap3A_11] {strides = array<i32>} : memref<256xi32, #tpu.memory_space<vmem>>, vector<16xi32>,
    tpu.vector_store %arg5[%swap3A_11], %broadcast_in_dim3A_3 {strides = array<i32>} : memref<256xi32, #tpu.memory_space<vmem>>, vector<16xi32>,
    %swap3A_13 = arith.constant 80 : index
    %swap3A_14 = tpu.vector_load %arg5[%swap3A_13] {strides = array<i32>} : memref<256xi32, #tpu.memory_space<vmem>>, vector<16xi32>,
    tpu.vector_store %arg5[%swap3A_13], %broadcast_in_dim3A_3 {strides = array<i32>} : memref<256xi32, #tpu.memory_space<vmem>>, vector<16xi32>,
    %swap3A_15 = arith.constant 96 : index
    %swap3A_16 = tpu.vector_load %arg5[%swap3A_15] {strides = array<i32>} : memref<256xi32, #tpu.memory_space<vmem>>, vector<16xi32>,
    tpu.vector_store %arg5[%swap3A_15], %broadcast_in_dim3A_3 {strides = array<i32>} : memref<256xi32, #tpu.memory_space<vmem>>, vector<16xi32>,
    %swap3A_17 = arith.constant 112 : index
    %swap3A_18 = tpu.vector_load %arg5[%swap3A_17] {strides = array<i32>} : memref<256xi32, #tpu.memory_space<vmem>>, vector<16xi32>,
    tpu.vector_store %arg5[%swap3A_17], %broadcast_in_dim3A_3 {strides = array<i32>} : memref<256xi32, #tpu.memory_space<vmem>>, vector<16xi32>,
    %swap3A_19 = arith.constant 128 : index
    %swap3A_20 = tpu.vector_load %arg5[%swap3A_19] {strides = array<i32>} : memref<256xi32, #tpu.memory_space<vmem>>, vector<16xi32>,
    tpu.vector_store %arg5[%swap3A_19], %broadcast_in_dim3A_3 {strides = array<i32>} : memref<256xi32, #tpu.memory_space<vmem>>, vector<16xi32>,
    %swap3A_21 = arith.constant 144 : index
    %swap3A_22 = tpu.vector_load %arg5[%swap3A_21] {strides = array<i32>} : memref<256xi32, #tpu.memory_space<vmem>>, vector<16xi32>,
    tpu.vector_store %arg5[%swap3A_21], %broadcast_in_dim3A_3 {strides = array<i32>} : memref<256xi32, #tpu.memory_space<vmem>>, vector<16xi32>,
    %swap3A_23 = arith.constant 160 : index
    %swap3A_24 = tpu.vector_load %arg5[%swap3A_23] {strides = array<i32>} : memref<256xi32, #tpu.memory_space<vmem>>, vector<16xi32>,
    tpu.vector_store %arg5[%swap3A_23], %broadcast_in_dim3A_3 {strides = array<i32>} : memref<256xi32, #tpu.memory_space<vmem>>, vector<16xi32>,
    %swap3A_25 = arith.constant 176 : index
    %swap3A_26 = tpu.vector_load %arg5[%swap3A_25] {strides = array<i32>} : memref<256xi32, #tpu.memory_space<vmem>>, vector<16xi32>,
    tpu.vector_store %arg5[%swap3A_25], %broadcast_in_dim3A_3 {strides = array<i32>} : memref<256xi32, #tpu.memory_space<vmem>>, vector<16xi32>,
    %swap3A_27 = arith.constant 192 : index
    %swap3A_28 = tpu.vector_load %arg5[%swap3A_27] {strides = array<i32>} : memref<256xi32, #tpu.memory_space<vmem>>, vector<16xi32>,
    tpu.vector_store %arg5[%swap3A_27], %broadcast_in_dim3A_3 {strides = array<i32>} : memref<256xi32, #tpu.memory_space<vmem>>, vector<16xi32>,
    %swap3A_29 = arith.constant 208 : index
    %swap3A_30 = tpu.vector_load %arg5[%swap3A_29] {strides = array<i32>} : memref<256xi32, #tpu.memory_space<vmem>>, vector<16xi32>,
    tpu.vector_store %arg5[%swap3A_29], %broadcast_in_dim3A_3 {strides = array<i32>} : memref<256xi32, #tpu.memory_space<vmem>>, vector<16xi32>,
    %swap3A_31 = arith.constant 224 : index
    %swap3A_32 = tpu.vector_load %arg5[%swap3A_31] {strides = array<i32>} : memref<256xi32, #tpu.memory_space<vmem>>, vector<16xi32>,
    tpu.vector_store %arg5[%swap3A_31], %broadcast_in_dim3A_3 {strides = array<i32>} : memref<256xi32, #tpu.memory_space<vmem>>, vector<16xi32>,
    %swap3A_33 = arith.constant 240 : index
    %swap3A_34 = tpu.vector_load %arg5[%swap3A_33] {strides = array<i32>} : memref<256xi32, #tpu.memory_space<vmem>>, vector<16xi32>,
    tpu.vector_store %arg5[%swap3A_33], %broadcast_in_dim3A_3 {strides = array<i32>} : memref<256xi32, #tpu.memory_space<vmem>>, vector<16xi32>,
    %iota3A = tpu.iota {dimensions = array<i32: 0>} : vector<16xi32>
    %mul3A_35 = arith.constant 16 : i32
    %mul3A_36 = vector.broadcast %mul3A_35 : i32 to vector<16xi32>
    %mul3A_37 = arith.muli %iota3A, %mul3A_36 : vector<16xi32>
    %broadcast_in_dim3A_38 = arith.constant 1 : i32
    %broadcast_in_dim3A_39 = vector.broadcast %broadcast_in_dim3A_38 : i32 to vector<16xi32>
    %scan3A = arith.constant 0 : i32
    %scan3A_40 = arith.constant 0 : i32
    %scan3A_41 = arith.constant 512 : i32
    %scan3A_42 = arith.addi %scan3A_40, %scan3A_41 : i32
    %scan3A_43 = arith.constant 1 : i32
    scf.for %scan3A_94 = %scan3A_40 to %scan3A_42 step %scan3A_43  : i32 {
      %mul3A_95 = arith.constant 8 : i32
      %mul3A_96 = arith.muli %scan3A_94, %mul3A_95 : i32
      %add3A_97 = arith.constant 0 : i32
      %add3A_98 = arith.addi %mul3A_96, %add3A_97 : i32
      %mul3A_99 = arith.constant 16 : i32
      %mul3A_100 = arith.muli %add3A_98, %mul3A_99 : i32
      %get3A_101 = arith.index_cast %mul3A_100 : i32 to index
      %get3A_102 = tpu.vector_load %arg4[%get3A_101] {strides = array<i32>} : memref<65536xi32, #tpu.memory_space<vmem>>, vector<16xi32>,
      %add3A_103 = arith.addi %get3A_102, %mul3A_37 : vector<16xi32>
      tpu.vector_store_idx %arg5[%add3A_103], %broadcast_in_dim3A_39 {add = true} : memref<256xi32, #tpu.memory_space<vmem>>[vector<16xi32>], vector<16xi32>,
      %mul3A_104 = arith.constant 8 : i32
      %mul3A_105 = arith.muli %scan3A_94, %mul3A_104 : i32
      %add3A_106 = arith.constant 1 : i32
      %add3A_107 = arith.addi %mul3A_105, %add3A_106 : i32
      %mul3A_108 = arith.constant 16 : i32
      %mul3A_109 = arith.muli %add3A_107, %mul3A_108 : i32
      %get3A_110 = arith.index_cast %mul3A_109 : i32 to index
      %get3A_111 = tpu.vector_load %arg4[%get3A_110] {strides = array<i32>} : memref<65536xi32, #tpu.memory_space<vmem>>, vector<16xi32>,
      %add3A_112 = arith.addi %get3A_111, %mul3A_37 : vector<16xi32>
      tpu.vector_store_idx %arg5[%add3A_112], %broadcast_in_dim3A_39 {add = true} : memref<256xi32, #tpu.memory_space<vmem>>[vector<16xi32>], vector<16xi32>,
      %mul3A_113 = arith.constant 8 : i32
      %mul3A_114 = arith.muli %scan3A_94, %mul3A_113 : i32
      %add3A_115 = arith.constant 2 : i32
      %add3A_116 = arith.addi %mul3A_114, %add3A_115 : i32
      %mul3A_117 = arith.constant 16 : i32
      %mul3A_118 = arith.muli %add3A_116, %mul3A_117 : i32
      %get3A_119 = arith.index_cast %mul3A_118 : i32 to index
      %get3A_120 = tpu.vector_load %arg4[%get3A_119] {strides = array<i32>} : memref<65536xi32, #tpu.memory_space<vmem>>, vector<16xi32>,
      %add3A_121 = arith.addi %get3A_120, %mul3A_37 : vector<16xi32>
      tpu.vector_store_idx %arg5[%add3A_121], %broadcast_in_dim3A_39 {add = true} : memref<256xi32, #tpu.memory_space<vmem>>[vector<16xi32>], vector<16xi32>,
      %mul3A_122 = arith.constant 8 : i32
      %mul3A_123 = arith.muli %scan3A_94, %mul3A_122 : i32
      %add3A_124 = arith.constant 3 : i32
      %add3A_125 = arith.addi %mul3A_123, %add3A_124 : i32
      %mul3A_126 = arith.constant 16 : i32
      %mul3A_127 = arith.muli %add3A_125, %mul3A_126 : i32
      %get3A_128 = arith.index_cast %mul3A_127 : i32 to index
      %get3A_129 = tpu.vector_load %arg4[%get3A_128] {strides = array<i32>} : memref<65536xi32, #tpu.memory_space<vmem>>, vector<16xi32>,
      %add3A_130 = arith.addi %get3A_129, %mul3A_37 : vector<16xi32>
      tpu.vector_store_idx %arg5[%add3A_130], %broadcast_in_dim3A_39 {add = true} : memref<256xi32, #tpu.memory_space<vmem>>[vector<16xi32>], vector<16xi32>,
      %mul3A_131 = arith.constant 8 : i32
      %mul3A_132 = arith.muli %scan3A_94, %mul3A_131 : i32
      %add3A_133 = arith.constant 4 : i32
      %add3A_134 = arith.addi %mul3A_132, %add3A_133 : i32
      %mul3A_135 = arith.constant 16 : i32
      %mul3A_136 = arith.muli %add3A_134, %mul3A_135 : i32
      %get3A_137 = arith.index_cast %mul3A_136 : i32 to index
      %get3A_138 = tpu.vector_load %arg4[%get3A_137] {strides = array<i32>} : memref<65536xi32, #tpu.memory_space<vmem>>, vector<16xi32>,
      %add3A_139 = arith.addi %get3A_138, %mul3A_37 : vector<16xi32>
      tpu.vector_store_idx %arg5[%add3A_139], %broadcast_in_dim3A_39 {add = true} : memref<256xi32, #tpu.memory_space<vmem>>[vector<16xi32>], vector<16xi32>,
      %mul3A_140 = arith.constant 8 : i32
      %mul3A_141 = arith.muli %scan3A_94, %mul3A_140 : i32
      %add3A_142 = arith.constant 5 : i32
      %add3A_143 = arith.addi %mul3A_141, %add3A_142 : i32
      %mul3A_144 = arith.constant 16 : i32
      %mul3A_145 = arith.muli %add3A_143, %mul3A_144 : i32
      %get3A_146 = arith.index_cast %mul3A_145 : i32 to index
      %get3A_147 = tpu.vector_load %arg4[%get3A_146] {strides = array<i32>} : memref<65536xi32, #tpu.memory_space<vmem>>, vector<16xi32>,
      %add3A_148 = arith.addi %get3A_147, %mul3A_37 : vector<16xi32>
      tpu.vector_store_idx %arg5[%add3A_148], %broadcast_in_dim3A_39 {add = true} : memref<256xi32, #tpu.memory_space<vmem>>[vector<16xi32>], vector<16xi32>,
      %mul3A_149 = arith.constant 8 : i32
      %mul3A_150 = arith.muli %scan3A_94, %mul3A_149 : i32
      %add3A_151 = arith.constant 6 : i32
      %add3A_152 = arith.addi %mul3A_150, %add3A_151 : i32
      %mul3A_153 = arith.constant 16 : i32
      %mul3A_154 = arith.muli %add3A_152, %mul3A_153 : i32
      %get3A_155 = arith.index_cast %mul3A_154 : i32 to index
      %get3A_156 = tpu.vector_load %arg4[%get3A_155] {strides = array<i32>} : memref<65536xi32, #tpu.memory_space<vmem>>, vector<16xi32>,
      %add3A_157 = arith.addi %get3A_156, %mul3A_37 : vector<16xi32>
      tpu.vector_store_idx %arg5[%add3A_157], %broadcast_in_dim3A_39 {add = true} : memref<256xi32, #tpu.memory_space<vmem>>[vector<16xi32>], vector<16xi32>,
      %mul3A_158 = arith.constant 8 : i32
      %mul3A_159 = arith.muli %scan3A_94, %mul3A_158 : i32
      %add3A_160 = arith.constant 7 : i32
      %add3A_161 = arith.addi %mul3A_159, %add3A_160 : i32
      %mul3A_162 = arith.constant 16 : i32
      %mul3A_163 = arith.muli %add3A_161, %mul3A_162 : i32
      %get3A_164 = arith.index_cast %mul3A_163 : i32 to index
      %get3A_165 = tpu.vector_load %arg4[%get3A_164] {strides = array<i32>} : memref<65536xi32, #tpu.memory_space<vmem>>, vector<16xi32>,
      %add3A_166 = arith.addi %get3A_165, %mul3A_37 : vector<16xi32>
      tpu.vector_store_idx %arg5[%add3A_166], %broadcast_in_dim3A_39 {add = true} : memref<256xi32, #tpu.memory_space<vmem>>[vector<16xi32>], vector<16xi32>,
    }
    %scan3A_44 = arith.constant 512 : i32
    %get3A = arith.constant 0 : index
    %get3A_45 = tpu.vector_load %arg5[%get3A] {strides = array<i32>} : memref<256xi32, #tpu.memory_space<vmem>>, vector<16xi32>,
    %add3A_46 = arith.addi %broadcast_in_dim3A_3, %get3A_45 : vector<16xi32>
    %get3A_47 = arith.constant 16 : index
    %get3A_48 = tpu.vector_load %arg5[%get3A_47] {strides = array<i32>} : memref<256xi32, #tpu.memory_space<vmem>>, vector<16xi32>,
    %add3A_49 = arith.addi %add3A_46, %get3A_48 : vector<16xi32>
    %get3A_50 = arith.constant 32 : index
    %get3A_51 = tpu.vector_load %arg5[%get3A_50] {strides = array<i32>} : memref<256xi32, #tpu.memory_space<vmem>>, vector<16xi32>,
    %add3A_52 = arith.addi %add3A_49, %get3A_51 : vector<16xi32>
    %get3A_53 = arith.constant 48 : index
    %get3A_54 = tpu.vector_load %arg5[%get3A_53] {strides = array<i32>} : memref<256xi32, #tpu.memory_space<vmem>>, vector<16xi32>,
    %add3A_55 = arith.addi %add3A_52, %get3A_54 : vector<16xi32>
    %get3A_56 = arith.constant 64 : index
    %get3A_57 = tpu.vector_load %arg5[%get3A_56] {strides = array<i32>} : memref<256xi32, #tpu.memory_space<vmem>>, vector<16xi32>,
    %add3A_58 = arith.addi %add3A_55, %get3A_57 : vector<16xi32>
    %get3A_59 = arith.constant 80 : index
    %get3A_60 = tpu.vector_load %arg5[%get3A_59] {strides = array<i32>} : memref<256xi32, #tpu.memory_space<vmem>>, vector<16xi32>,
    %add3A_61 = arith.addi %add3A_58, %get3A_60 : vector<16xi32>
    %get3A_62 = arith.constant 96 : index
    %get3A_63 = tpu.vector_load %arg5[%get3A_62] {strides = array<i32>} : memref<256xi32, #tpu.memory_space<vmem>>, vector<16xi32>,
    %add3A_64 = arith.addi %add3A_61, %get3A_63 : vector<16xi32>
    %get3A_65 = arith.constant 112 : index
    %get3A_66 = tpu.vector_load %arg5[%get3A_65] {strides = array<i32>} : memref<256xi32, #tpu.memory_space<vmem>>, vector<16xi32>,
    %add3A_67 = arith.addi %add3A_64, %get3A_66 : vector<16xi32>
    %get3A_68 = arith.constant 128 : index
    %get3A_69 = tpu.vector_load %arg5[%get3A_68] {strides = array<i32>} : memref<256xi32, #tpu.memory_space<vmem>>, vector<16xi32>,
    %add3A_70 = arith.addi %add3A_67, %get3A_69 : vector<16xi32>
    %get3A_71 = arith.constant 144 : index
    %get3A_72 = tpu.vector_load %arg5[%get3A_71] {strides = array<i32>} : memref<256xi32, #tpu.memory_space<vmem>>, vector<16xi32>,
    %add3A_73 = arith.addi %add3A_70, %get3A_72 : vector<16xi32>
    %get3A_74 = arith.constant 160 : index
    %get3A_75 = tpu.vector_load %arg5[%get3A_74] {strides = array<i32>} : memref<256xi32, #tpu.memory_space<vmem>>, vector<16xi32>,
    %add3A_76 = arith.addi %add3A_73, %get3A_75 : vector<16xi32>
    %get3A_77 = arith.constant 176 : index
    %get3A_78 = tpu.vector_load %arg5[%get3A_77] {strides = array<i32>} : memref<256xi32, #tpu.memory_space<vmem>>, vector<16xi32>,
    %add3A_79 = arith.addi %add3A_76, %get3A_78 : vector<16xi32>
    %get3A_80 = arith.constant 192 : index
    %get3A_81 = tpu.vector_load %arg5[%get3A_80] {strides = array<i32>} : memref<256xi32, #tpu.memory_space<vmem>>, vector<16xi32>,
    %add3A_82 = arith.addi %add3A_79, %get3A_81 : vector<16xi32>
    %get3A_83 = arith.constant 208 : index
    %get3A_84 = tpu.vector_load %arg5[%get3A_83] {strides = array<i32>} : memref<256xi32, #tpu.memory_space<vmem>>, vector<16xi32>,
    %add3A_85 = arith.addi %add3A_82, %get3A_84 : vector<16xi32>
    %get3A_86 = arith.constant 224 : index
    %get3A_87 = tpu.vector_load %arg5[%get3A_86] {strides = array<i32>} : memref<256xi32, #tpu.memory_space<vmem>>, vector<16xi32>,
    %add3A_88 = arith.addi %add3A_85, %get3A_87 : vector<16xi32>
    %get3A_89 = arith.constant 240 : index
    %get3A_90 = tpu.vector_load %arg5[%get3A_89] {strides = array<i32>} : memref<256xi32, #tpu.memory_space<vmem>>, vector<16xi32>,
    %add3A_91 = arith.addi %add3A_88, %get3A_90 : vector<16xi32>
    %swap3A_92 = arith.constant 0 : index
    %swap3A_93 = tpu.vector_load %arg6[%swap3A_92] {strides = array<i32>} : memref<16xi32, #tpu.memory_space<vmem>>, vector<16xi32>,
    tpu.vector_store %arg6[%swap3A_92], %add3A_91 {strides = array<i32>} : memref<16xi32, #tpu.memory_space<vmem>>, vector<16xi32>,
    "tpu.region"() ({
      %run_scoped3A = tpu.sem_alloc : memref<!tpu.dma_semaphore, #tpu.memory_space<semaphore_mem>>
      %dma_start3A = arith.constant 0 : i32
      %dma_start3A_94 = tpu.memref_slice %arg3[%add3A, %dma_start3A] : memref<32x16xi32, #tpu.memory_space<hbm>> -> memref<1x16xi32, #tpu.memory_space<hbm>>
      %dma_start3A_95 = tpu.memref_squeeze %dma_start3A_94 : memref<1x16xi32, #tpu.memory_space<hbm>> -> memref<16xi32, #tpu.memory_space<hbm>>
      %dma_start3A_96 = arith.constant 0 : i32
      %dma_start3A_97 = tpu.memref_slice %arg3[%add3A, %dma_start3A_96] : memref<32x16xi32, #tpu.memory_space<hbm>> -> memref<1x16xi32, #tpu.memory_space<hbm>>
      %dma_start3A_98 = tpu.memref_squeeze %dma_start3A_97 : memref<1x16xi32, #tpu.memory_space<hbm>> -> memref<16xi32, #tpu.memory_space<hbm>>
      tpu.enqueue_dma source(%arg6 : memref<16xi32, #tpu.memory_space<vmem>>) target(%dma_start3A_98 : memref<16xi32, #tpu.memory_space<hbm>>) target_semaphore(%run_scoped3A : memref<!tpu.dma_semaphore, #tpu.memory_space<semaphore_mem>>)
      %dma_wait3A = arith.constant 0 : i32
      %dma_wait3A_99 = tpu.memref_slice %arg3[%add3A, %dma_wait3A] : memref<32x16xi32, #tpu.memory_space<hbm>> -> memref<1x16xi32, #tpu.memory_space<hbm>>
      %dma_wait3A_100 = tpu.memref_squeeze %dma_wait3A_99 : memref<1x16xi32, #tpu.memory_space<hbm>> -> memref<16xi32, #tpu.memory_space<hbm>>
      %dma_wait3A_101 = arith.constant 0 : i32
      %dma_wait3A_102 = tpu.memref_slice %arg3[%add3A, %dma_wait3A_101] : memref<32x16xi32, #tpu.memory_space<hbm>> -> memref<1x16xi32, #tpu.memory_space<hbm>>
      %dma_wait3A_103 = tpu.memref_squeeze %dma_wait3A_102 : memref<1x16xi32, #tpu.memory_space<hbm>> -> memref<16xi32, #tpu.memory_space<hbm>>
      tpu.wait_dma2 semaphore(%run_scoped3A : memref<!tpu.dma_semaphore, #tpu.memory_space<semaphore_mem>>) src(%arg6 : memref<16xi32, #tpu.memory_space<vmem>>) dst(%dma_wait3A_103 : memref<16xi32, #tpu.memory_space<hbm>>)
      tpu.yield
    }) : () -> ()
    return
  }
}

module attributes {stable_mosaic.version = 14 : i64} {
  func.func @_focal_block_kernel(%arg0: i32, %arg1: i32, %arg2: memref<1x9x512x512xf32, #tpu.memory_space<vmem>>, %arg3: memref<1x512x512xi32, #tpu.memory_space<vmem>>, %arg4: memref<1x9xf32, #tpu.memory_space<vmem>>, %arg5: memref<9x512xf32, #tpu.memory_space<vmem>>, %arg6: memref<512x512xf32, #tpu.memory_space<vmem>>, %arg7: memref<512x512xf32, #tpu.memory_space<vmem>>) attributes {dimension_semantics = [#tpu.dimension_semantics<arbitrary>, #tpu.dimension_semantics<arbitrary>], iteration_bounds = array<i64: 8, 1>, scalar_prefetch = 0 : i64, scratch_operands = 3 : i64, tpu.core_type = #tpu.core_type<tc>, window_params = [{transform_indices = @transform_0, window_bounds = array<i64: 1, 9, 512, 512>}, {transform_indices = @transform_1, window_bounds = array<i64: 1, 512, 512>}, {pipeline_mode = #tpu.pipeline_mode<synchronous>, transform_indices = @transform_2, window_bounds = array<i64: 1, 9>}]} {
    %mul3A = arith.constant 1 : i32
    %mul3A_0 = arith.muli %arg0, %mul3A : i32
    %add3A = arith.addi %mul3A_0, %arg1 : i32
    %eq3A = arith.constant 0 : i32
    %eq3A_1 = arith.cmpi eq, %add3A, %eq3A : i32
    %convert_element_type3A = arith.extui %eq3A_1 : i1 to i32
    %cond3A = arith.constant 0 : i32
    %cond3A_2 = arith.cmpi ne, %convert_element_type3A, %cond3A : i32
    scf.if %cond3A_2 {
      %broadcast_in_dim3A_180 = arith.constant 0.000000e+00 : f32
      %broadcast_in_dim3A_181 = vector.broadcast %broadcast_in_dim3A_180 : f32 to vector<9x512xf32>
      %swap3A_182 = arith.constant 0 : index
      %swap3A_183 = arith.constant 0 : index
      %swap3A_184 = vector.load %arg5[%swap3A_182, %swap3A_183] : memref<9x512xf32, #tpu.memory_space<vmem>>, vector<9x512xf32>
      tpu.vector_store %arg5[%swap3A_182, %swap3A_183], %broadcast_in_dim3A_181 {strides = array<i32>} : memref<9x512xf32, #tpu.memory_space<vmem>>, vector<9x512xf32>,
    } else {
    }
    %scan3A = arith.constant 0 : i32
    %scan3A_3 = arith.constant 16 : i32
    %scan3A_4 = arith.addi %scan3A, %scan3A_3 : i32
    %scan3A_5 = arith.constant 1 : i32
    scf.for %scan3A_180 = %scan3A to %scan3A_4 step %scan3A_5  : i32 {
      %mul3A_181 = arith.constant 32 : i32
      %mul3A_182 = arith.muli %scan3A_180, %mul3A_181 : i32
      %get3A_183 = arith.constant 0 : index
      %get3A_184 = arith.index_cast %mul3A_182 : i32 to index
      %get3A_185 = arith.constant 0 : index
      %get3A_186 = vector.load %arg3[%get3A_183, %get3A_184, %get3A_185] : memref<1x512x512xi32, #tpu.memory_space<vmem>>, vector<1x32x512xi32>
      %get3A_187 = vector.shape_cast %get3A_186 : vector<1x32x512xi32> to vector<32x512xi32>
      %broadcast_in_dim3A_188 = arith.constant 0.000000e+00 : f32
      %broadcast_in_dim3A_189 = vector.broadcast %broadcast_in_dim3A_188 : f32 to vector<32x512xf32>
      %broadcast_in_dim3A_190 = arith.constant 0.000000e+00 : f32
      %broadcast_in_dim3A_191 = vector.broadcast %broadcast_in_dim3A_190 : f32 to vector<32x512xf32>
      %get3A_192 = arith.constant 0 : index
      %get3A_193 = arith.constant 0 : index
      %get3A_194 = arith.index_cast %mul3A_182 : i32 to index
      %get3A_195 = arith.constant 0 : index
      %get3A_196 = vector.load %arg2[%get3A_192, %get3A_193, %get3A_194, %get3A_195] : memref<1x9x512x512xf32, #tpu.memory_space<vmem>>, vector<1x1x32x512xf32>
      %get3A_197 = vector.shape_cast %get3A_196 : vector<1x1x32x512xf32> to vector<32x512xf32>
      %exp3A_198 = math.exp %get3A_197 : vector<32x512xf32>
      %add3A_199 = arith.addf %broadcast_in_dim3A_189, %exp3A_198 : vector<32x512xf32>
      %eq3A_200 = arith.constant 0 : i32
      %eq3A_201 = vector.broadcast %eq3A_200 : i32 to vector<32x512xi32>
      %eq3A_202 = arith.cmpi eq, %get3A_187, %eq3A_201 : vector<32x512xi32>
      %select_n3A_203 = arith.select %eq3A_202, %get3A_197, %broadcast_in_dim3A_191 : vector<32x512xi1>, vector<32x512xf32>
      %get3A_204 = arith.constant 0 : index
      %get3A_205 = arith.constant 1 : index
      %get3A_206 = arith.index_cast %mul3A_182 : i32 to index
      %get3A_207 = arith.constant 0 : index
      %get3A_208 = vector.load %arg2[%get3A_204, %get3A_205, %get3A_206, %get3A_207] : memref<1x9x512x512xf32, #tpu.memory_space<vmem>>, vector<1x1x32x512xf32>
      %get3A_209 = vector.shape_cast %get3A_208 : vector<1x1x32x512xf32> to vector<32x512xf32>
      %exp3A_210 = math.exp %get3A_209 : vector<32x512xf32>
      %add3A_211 = arith.addf %add3A_199, %exp3A_210 : vector<32x512xf32>
      %eq3A_212 = arith.constant 1 : i32
      %eq3A_213 = vector.broadcast %eq3A_212 : i32 to vector<32x512xi32>
      %eq3A_214 = arith.cmpi eq, %get3A_187, %eq3A_213 : vector<32x512xi32>
      %select_n3A_215 = arith.select %eq3A_214, %get3A_209, %select_n3A_203 : vector<32x512xi1>, vector<32x512xf32>
      %get3A_216 = arith.constant 0 : index
      %get3A_217 = arith.constant 2 : index
      %get3A_218 = arith.index_cast %mul3A_182 : i32 to index
      %get3A_219 = arith.constant 0 : index
      %get3A_220 = vector.load %arg2[%get3A_216, %get3A_217, %get3A_218, %get3A_219] : memref<1x9x512x512xf32, #tpu.memory_space<vmem>>, vector<1x1x32x512xf32>
      %get3A_221 = vector.shape_cast %get3A_220 : vector<1x1x32x512xf32> to vector<32x512xf32>
      %exp3A_222 = math.exp %get3A_221 : vector<32x512xf32>
      %add3A_223 = arith.addf %add3A_211, %exp3A_222 : vector<32x512xf32>
      %eq3A_224 = arith.constant 2 : i32
      %eq3A_225 = vector.broadcast %eq3A_224 : i32 to vector<32x512xi32>
      %eq3A_226 = arith.cmpi eq, %get3A_187, %eq3A_225 : vector<32x512xi32>
      %select_n3A_227 = arith.select %eq3A_226, %get3A_221, %select_n3A_215 : vector<32x512xi1>, vector<32x512xf32>
      %get3A_228 = arith.constant 0 : index
      %get3A_229 = arith.constant 3 : index
      %get3A_230 = arith.index_cast %mul3A_182 : i32 to index
      %get3A_231 = arith.constant 0 : index
      %get3A_232 = vector.load %arg2[%get3A_228, %get3A_229, %get3A_230, %get3A_231] : memref<1x9x512x512xf32, #tpu.memory_space<vmem>>, vector<1x1x32x512xf32>
      %get3A_233 = vector.shape_cast %get3A_232 : vector<1x1x32x512xf32> to vector<32x512xf32>
      %exp3A_234 = math.exp %get3A_233 : vector<32x512xf32>
      %add3A_235 = arith.addf %add3A_223, %exp3A_234 : vector<32x512xf32>
      %eq3A_236 = arith.constant 3 : i32
      %eq3A_237 = vector.broadcast %eq3A_236 : i32 to vector<32x512xi32>
      %eq3A_238 = arith.cmpi eq, %get3A_187, %eq3A_237 : vector<32x512xi32>
      %select_n3A_239 = arith.select %eq3A_238, %get3A_233, %select_n3A_227 : vector<32x512xi1>, vector<32x512xf32>
      %get3A_240 = arith.constant 0 : index
      %get3A_241 = arith.constant 4 : index
      %get3A_242 = arith.index_cast %mul3A_182 : i32 to index
      %get3A_243 = arith.constant 0 : index
      %get3A_244 = vector.load %arg2[%get3A_240, %get3A_241, %get3A_242, %get3A_243] : memref<1x9x512x512xf32, #tpu.memory_space<vmem>>, vector<1x1x32x512xf32>
      %get3A_245 = vector.shape_cast %get3A_244 : vector<1x1x32x512xf32> to vector<32x512xf32>
      %exp3A_246 = math.exp %get3A_245 : vector<32x512xf32>
      %add3A_247 = arith.addf %add3A_235, %exp3A_246 : vector<32x512xf32>
      %eq3A_248 = arith.constant 4 : i32
      %eq3A_249 = vector.broadcast %eq3A_248 : i32 to vector<32x512xi32>
      %eq3A_250 = arith.cmpi eq, %get3A_187, %eq3A_249 : vector<32x512xi32>
      %select_n3A_251 = arith.select %eq3A_250, %get3A_245, %select_n3A_239 : vector<32x512xi1>, vector<32x512xf32>
      %get3A_252 = arith.constant 0 : index
      %get3A_253 = arith.constant 5 : index
      %get3A_254 = arith.index_cast %mul3A_182 : i32 to index
      %get3A_255 = arith.constant 0 : index
      %get3A_256 = vector.load %arg2[%get3A_252, %get3A_253, %get3A_254, %get3A_255] : memref<1x9x512x512xf32, #tpu.memory_space<vmem>>, vector<1x1x32x512xf32>
      %get3A_257 = vector.shape_cast %get3A_256 : vector<1x1x32x512xf32> to vector<32x512xf32>
      %exp3A_258 = math.exp %get3A_257 : vector<32x512xf32>
      %add3A_259 = arith.addf %add3A_247, %exp3A_258 : vector<32x512xf32>
      %eq3A_260 = arith.constant 5 : i32
      %eq3A_261 = vector.broadcast %eq3A_260 : i32 to vector<32x512xi32>
      %eq3A_262 = arith.cmpi eq, %get3A_187, %eq3A_261 : vector<32x512xi32>
      %select_n3A_263 = arith.select %eq3A_262, %get3A_257, %select_n3A_251 : vector<32x512xi1>, vector<32x512xf32>
      %get3A_264 = arith.constant 0 : index
      %get3A_265 = arith.constant 6 : index
      %get3A_266 = arith.index_cast %mul3A_182 : i32 to index
      %get3A_267 = arith.constant 0 : index
      %get3A_268 = vector.load %arg2[%get3A_264, %get3A_265, %get3A_266, %get3A_267] : memref<1x9x512x512xf32, #tpu.memory_space<vmem>>, vector<1x1x32x512xf32>
      %get3A_269 = vector.shape_cast %get3A_268 : vector<1x1x32x512xf32> to vector<32x512xf32>
      %exp3A_270 = math.exp %get3A_269 : vector<32x512xf32>
      %add3A_271 = arith.addf %add3A_259, %exp3A_270 : vector<32x512xf32>
      %eq3A_272 = arith.constant 6 : i32
      %eq3A_273 = vector.broadcast %eq3A_272 : i32 to vector<32x512xi32>
      %eq3A_274 = arith.cmpi eq, %get3A_187, %eq3A_273 : vector<32x512xi32>
      %select_n3A_275 = arith.select %eq3A_274, %get3A_269, %select_n3A_263 : vector<32x512xi1>, vector<32x512xf32>
      %get3A_276 = arith.constant 0 : index
      %get3A_277 = arith.constant 7 : index
      %get3A_278 = arith.index_cast %mul3A_182 : i32 to index
      %get3A_279 = arith.constant 0 : index
      %get3A_280 = vector.load %arg2[%get3A_276, %get3A_277, %get3A_278, %get3A_279] : memref<1x9x512x512xf32, #tpu.memory_space<vmem>>, vector<1x1x32x512xf32>
      %get3A_281 = vector.shape_cast %get3A_280 : vector<1x1x32x512xf32> to vector<32x512xf32>
      %exp3A_282 = math.exp %get3A_281 : vector<32x512xf32>
      %add3A_283 = arith.addf %add3A_271, %exp3A_282 : vector<32x512xf32>
      %eq3A_284 = arith.constant 7 : i32
      %eq3A_285 = vector.broadcast %eq3A_284 : i32 to vector<32x512xi32>
      %eq3A_286 = arith.cmpi eq, %get3A_187, %eq3A_285 : vector<32x512xi32>
      %select_n3A_287 = arith.select %eq3A_286, %get3A_281, %select_n3A_275 : vector<32x512xi1>, vector<32x512xf32>
      %get3A_288 = arith.constant 0 : index
      %get3A_289 = arith.constant 8 : index
      %get3A_290 = arith.index_cast %mul3A_182 : i32 to index
      %get3A_291 = arith.constant 0 : index
      %get3A_292 = vector.load %arg2[%get3A_288, %get3A_289, %get3A_290, %get3A_291] : memref<1x9x512x512xf32, #tpu.memory_space<vmem>>, vector<1x1x32x512xf32>
      %get3A_293 = vector.shape_cast %get3A_292 : vector<1x1x32x512xf32> to vector<32x512xf32>
      %exp3A_294 = math.exp %get3A_293 : vector<32x512xf32>
      %add3A_295 = arith.addf %add3A_283, %exp3A_294 : vector<32x512xf32>
      %eq3A_296 = arith.constant 8 : i32
      %eq3A_297 = vector.broadcast %eq3A_296 : i32 to vector<32x512xi32>
      %eq3A_298 = arith.cmpi eq, %get3A_187, %eq3A_297 : vector<32x512xi32>
      %select_n3A_299 = arith.select %eq3A_298, %get3A_293, %select_n3A_287 : vector<32x512xi1>, vector<32x512xf32>
      %swap3A_300 = arith.index_cast %mul3A_182 : i32 to index
      %swap3A_301 = arith.constant 0 : index
      %swap3A_302 = vector.load %arg6[%swap3A_300, %swap3A_301] : memref<512x512xf32, #tpu.memory_space<vmem>>, vector<32x512xf32>
      tpu.vector_store %arg6[%swap3A_300, %swap3A_301], %add3A_295 {strides = array<i32>} : memref<512x512xf32, #tpu.memory_space<vmem>>, vector<32x512xf32>,
      %swap3A_303 = arith.index_cast %mul3A_182 : i32 to index
      %swap3A_304 = arith.constant 0 : index
      %swap3A_305 = vector.load %arg7[%swap3A_303, %swap3A_304] : memref<512x512xf32, #tpu.memory_space<vmem>>, vector<32x512xf32>
      tpu.vector_store %arg7[%swap3A_303, %swap3A_304], %select_n3A_299 {strides = array<i32>} : memref<512x512xf32, #tpu.memory_space<vmem>>, vector<32x512xf32>,
    }
    %scan3A_6 = arith.constant 16 : i32
    %get3A = arith.constant 0 : index
    %get3A_7 = arith.constant 0 : index
    %get3A_8 = arith.constant 0 : index
    %get3A_9 = vector.load %arg3[%get3A, %get3A_7, %get3A_8] : memref<1x512x512xi32, #tpu.memory_space<vmem>>, vector<1x512x512xi32>
    %get3A_10 = vector.shape_cast %get3A_9 : vector<1x512x512xi32> to vector<512x512xi32>
    %get3A_11 = arith.constant 0 : index
    %get3A_12 = arith.constant 0 : index
    %get3A_13 = vector.load %arg7[%get3A_11, %get3A_12] : memref<512x512xf32, #tpu.memory_space<vmem>>, vector<512x512xf32>
    %get3A_14 = arith.constant 0 : index
    %get3A_15 = arith.constant 0 : index
    %get3A_16 = vector.load %arg6[%get3A_14, %get3A_15] : memref<512x512xf32, #tpu.memory_space<vmem>>, vector<512x512xf32>
    %log3A = math.log %get3A_16 : vector<512x512xf32>
    %sub3A = arith.subf %get3A_13, %log3A : vector<512x512xf32>
    %exp3A = math.exp %sub3A : vector<512x512xf32>
    %sub3A_17 = arith.constant 1.000000e+00 : f32
    %sub3A_18 = vector.broadcast %sub3A_17 : f32 to vector<512x512xf32>
    %sub3A_19 = arith.subf %sub3A_18, %exp3A : vector<512x512xf32>
    %mul3A_20 = arith.mulf %sub3A_19, %sub3A_19 : vector<512x512xf32>
    %neg3A = arith.constant 0.000000e+00 : f32
    %neg3A_21 = vector.broadcast %neg3A : f32 to vector<512x512xf32>
    %neg3A_22 = arith.subf %neg3A_21, %mul3A_20 : vector<512x512xf32>
    %mul3A_23 = arith.mulf %neg3A_22, %sub3A : vector<512x512xf32>
    %get3A_24 = arith.constant 0 : index
    %get3A_25 = arith.constant 0 : index
    %get3A_26 = vector.load %arg5[%get3A_24, %get3A_25] : memref<9x512xf32, #tpu.memory_space<vmem>>, vector<1x512xf32>
    %get3A_27 = vector.shape_cast %get3A_26 : vector<1x512xf32> to vector<512xf32>
    %eq3A_28 = arith.constant 0 : i32
    %eq3A_29 = vector.broadcast %eq3A_28 : i32 to vector<512x512xi32>
    %eq3A_30 = arith.cmpi eq, %get3A_10, %eq3A_29 : vector<512x512xi32>
    %jit3A = arith.constant 0.000000e+00 : f32
    %broadcast_in_dim3A = vector.broadcast %jit3A : f32 to vector<512x512xf32>
    %select_n3A = arith.select %eq3A_30, %mul3A_23, %broadcast_in_dim3A : vector<512x512xi1>, vector<512x512xf32>
    %reduce_sum3A = arith.constant dense<0.000000e+00> : vector<512xf32>
    %reduce_sum3A_31 = vector.multi_reduction <add>, %select_n3A, %reduce_sum3A [0] : vector<512x512xf32> to vector<512xf32>
    %add3A_32 = arith.addf %get3A_27, %reduce_sum3A_31 : vector<512xf32>
    %swap3A = arith.constant 0 : index
    %swap3A_33 = arith.constant 0 : index
    %swap3A_34 = vector.load %arg5[%swap3A, %swap3A_33] : memref<9x512xf32, #tpu.memory_space<vmem>>, vector<1x512xf32>
    %swap3A_35 = vector.shape_cast %swap3A_34 : vector<1x512xf32> to vector<512xf32>
    %swap3A_36 = vector.shape_cast %add3A_32 : vector<512xf32> to vector<1x512xf32>
    tpu.vector_store %arg5[%swap3A, %swap3A_33], %swap3A_36 {strides = array<i32>} : memref<9x512xf32, #tpu.memory_space<vmem>>, vector<1x512xf32>,
    %get3A_37 = arith.constant 1 : index
    %get3A_38 = arith.constant 0 : index
    %get3A_39 = vector.load %arg5[%get3A_37, %get3A_38] : memref<9x512xf32, #tpu.memory_space<vmem>>, vector<1x512xf32>
    %get3A_40 = vector.shape_cast %get3A_39 : vector<1x512xf32> to vector<512xf32>
    %eq3A_41 = arith.constant 1 : i32
    %eq3A_42 = vector.broadcast %eq3A_41 : i32 to vector<512x512xi32>
    %eq3A_43 = arith.cmpi eq, %get3A_10, %eq3A_42 : vector<512x512xi32>
    %jit3A_44 = arith.constant 0.000000e+00 : f32
    %broadcast_in_dim3A_45 = vector.broadcast %jit3A_44 : f32 to vector<512x512xf32>
    %select_n3A_46 = arith.select %eq3A_43, %mul3A_23, %broadcast_in_dim3A_45 : vector<512x512xi1>, vector<512x512xf32>
    %reduce_sum3A_47 = arith.constant dense<0.000000e+00> : vector<512xf32>
    %reduce_sum3A_48 = vector.multi_reduction <add>, %select_n3A_46, %reduce_sum3A_47 [0] : vector<512x512xf32> to vector<512xf32>
    %add3A_49 = arith.addf %get3A_40, %reduce_sum3A_48 : vector<512xf32>
    %swap3A_50 = arith.constant 1 : index
    %swap3A_51 = arith.constant 0 : index
    %swap3A_52 = vector.load %arg5[%swap3A_50, %swap3A_51] : memref<9x512xf32, #tpu.memory_space<vmem>>, vector<1x512xf32>
    %swap3A_53 = vector.shape_cast %swap3A_52 : vector<1x512xf32> to vector<512xf32>
    %swap3A_54 = vector.shape_cast %add3A_49 : vector<512xf32> to vector<1x512xf32>
    tpu.vector_store %arg5[%swap3A_50, %swap3A_51], %swap3A_54 {strides = array<i32>} : memref<9x512xf32, #tpu.memory_space<vmem>>, vector<1x512xf32>,
    %get3A_55 = arith.constant 2 : index
    %get3A_56 = arith.constant 0 : index
    %get3A_57 = vector.load %arg5[%get3A_55, %get3A_56] : memref<9x512xf32, #tpu.memory_space<vmem>>, vector<1x512xf32>
    %get3A_58 = vector.shape_cast %get3A_57 : vector<1x512xf32> to vector<512xf32>
    %eq3A_59 = arith.constant 2 : i32
    %eq3A_60 = vector.broadcast %eq3A_59 : i32 to vector<512x512xi32>
    %eq3A_61 = arith.cmpi eq, %get3A_10, %eq3A_60 : vector<512x512xi32>
    %jit3A_62 = arith.constant 0.000000e+00 : f32
    %broadcast_in_dim3A_63 = vector.broadcast %jit3A_62 : f32 to vector<512x512xf32>
    %select_n3A_64 = arith.select %eq3A_61, %mul3A_23, %broadcast_in_dim3A_63 : vector<512x512xi1>, vector<512x512xf32>
    %reduce_sum3A_65 = arith.constant dense<0.000000e+00> : vector<512xf32>
    %reduce_sum3A_66 = vector.multi_reduction <add>, %select_n3A_64, %reduce_sum3A_65 [0] : vector<512x512xf32> to vector<512xf32>
    %add3A_67 = arith.addf %get3A_58, %reduce_sum3A_66 : vector<512xf32>
    %swap3A_68 = arith.constant 2 : index
    %swap3A_69 = arith.constant 0 : index
    %swap3A_70 = vector.load %arg5[%swap3A_68, %swap3A_69] : memref<9x512xf32, #tpu.memory_space<vmem>>, vector<1x512xf32>
    %swap3A_71 = vector.shape_cast %swap3A_70 : vector<1x512xf32> to vector<512xf32>
    %swap3A_72 = vector.shape_cast %add3A_67 : vector<512xf32> to vector<1x512xf32>
    tpu.vector_store %arg5[%swap3A_68, %swap3A_69], %swap3A_72 {strides = array<i32>} : memref<9x512xf32, #tpu.memory_space<vmem>>, vector<1x512xf32>,
    %get3A_73 = arith.constant 3 : index
    %get3A_74 = arith.constant 0 : index
    %get3A_75 = vector.load %arg5[%get3A_73, %get3A_74] : memref<9x512xf32, #tpu.memory_space<vmem>>, vector<1x512xf32>
    %get3A_76 = vector.shape_cast %get3A_75 : vector<1x512xf32> to vector<512xf32>
    %eq3A_77 = arith.constant 3 : i32
    %eq3A_78 = vector.broadcast %eq3A_77 : i32 to vector<512x512xi32>
    %eq3A_79 = arith.cmpi eq, %get3A_10, %eq3A_78 : vector<512x512xi32>
    %jit3A_80 = arith.constant 0.000000e+00 : f32
    %broadcast_in_dim3A_81 = vector.broadcast %jit3A_80 : f32 to vector<512x512xf32>
    %select_n3A_82 = arith.select %eq3A_79, %mul3A_23, %broadcast_in_dim3A_81 : vector<512x512xi1>, vector<512x512xf32>
    %reduce_sum3A_83 = arith.constant dense<0.000000e+00> : vector<512xf32>
    %reduce_sum3A_84 = vector.multi_reduction <add>, %select_n3A_82, %reduce_sum3A_83 [0] : vector<512x512xf32> to vector<512xf32>
    %add3A_85 = arith.addf %get3A_76, %reduce_sum3A_84 : vector<512xf32>
    %swap3A_86 = arith.constant 3 : index
    %swap3A_87 = arith.constant 0 : index
    %swap3A_88 = vector.load %arg5[%swap3A_86, %swap3A_87] : memref<9x512xf32, #tpu.memory_space<vmem>>, vector<1x512xf32>
    %swap3A_89 = vector.shape_cast %swap3A_88 : vector<1x512xf32> to vector<512xf32>
    %swap3A_90 = vector.shape_cast %add3A_85 : vector<512xf32> to vector<1x512xf32>
    tpu.vector_store %arg5[%swap3A_86, %swap3A_87], %swap3A_90 {strides = array<i32>} : memref<9x512xf32, #tpu.memory_space<vmem>>, vector<1x512xf32>,
    %get3A_91 = arith.constant 4 : index
    %get3A_92 = arith.constant 0 : index
    %get3A_93 = vector.load %arg5[%get3A_91, %get3A_92] : memref<9x512xf32, #tpu.memory_space<vmem>>, vector<1x512xf32>
    %get3A_94 = vector.shape_cast %get3A_93 : vector<1x512xf32> to vector<512xf32>
    %eq3A_95 = arith.constant 4 : i32
    %eq3A_96 = vector.broadcast %eq3A_95 : i32 to vector<512x512xi32>
    %eq3A_97 = arith.cmpi eq, %get3A_10, %eq3A_96 : vector<512x512xi32>
    %jit3A_98 = arith.constant 0.000000e+00 : f32
    %broadcast_in_dim3A_99 = vector.broadcast %jit3A_98 : f32 to vector<512x512xf32>
    %select_n3A_100 = arith.select %eq3A_97, %mul3A_23, %broadcast_in_dim3A_99 : vector<512x512xi1>, vector<512x512xf32>
    %reduce_sum3A_101 = arith.constant dense<0.000000e+00> : vector<512xf32>
    %reduce_sum3A_102 = vector.multi_reduction <add>, %select_n3A_100, %reduce_sum3A_101 [0] : vector<512x512xf32> to vector<512xf32>
    %add3A_103 = arith.addf %get3A_94, %reduce_sum3A_102 : vector<512xf32>
    %swap3A_104 = arith.constant 4 : index
    %swap3A_105 = arith.constant 0 : index
    %swap3A_106 = vector.load %arg5[%swap3A_104, %swap3A_105] : memref<9x512xf32, #tpu.memory_space<vmem>>, vector<1x512xf32>
    %swap3A_107 = vector.shape_cast %swap3A_106 : vector<1x512xf32> to vector<512xf32>
    %swap3A_108 = vector.shape_cast %add3A_103 : vector<512xf32> to vector<1x512xf32>
    tpu.vector_store %arg5[%swap3A_104, %swap3A_105], %swap3A_108 {strides = array<i32>} : memref<9x512xf32, #tpu.memory_space<vmem>>, vector<1x512xf32>,
    %get3A_109 = arith.constant 5 : index
    %get3A_110 = arith.constant 0 : index
    %get3A_111 = vector.load %arg5[%get3A_109, %get3A_110] : memref<9x512xf32, #tpu.memory_space<vmem>>, vector<1x512xf32>
    %get3A_112 = vector.shape_cast %get3A_111 : vector<1x512xf32> to vector<512xf32>
    %eq3A_113 = arith.constant 5 : i32
    %eq3A_114 = vector.broadcast %eq3A_113 : i32 to vector<512x512xi32>
    %eq3A_115 = arith.cmpi eq, %get3A_10, %eq3A_114 : vector<512x512xi32>
    %jit3A_116 = arith.constant 0.000000e+00 : f32
    %broadcast_in_dim3A_117 = vector.broadcast %jit3A_116 : f32 to vector<512x512xf32>
    %select_n3A_118 = arith.select %eq3A_115, %mul3A_23, %broadcast_in_dim3A_117 : vector<512x512xi1>, vector<512x512xf32>
    %reduce_sum3A_119 = arith.constant dense<0.000000e+00> : vector<512xf32>
    %reduce_sum3A_120 = vector.multi_reduction <add>, %select_n3A_118, %reduce_sum3A_119 [0] : vector<512x512xf32> to vector<512xf32>
    %add3A_121 = arith.addf %get3A_112, %reduce_sum3A_120 : vector<512xf32>
    %swap3A_122 = arith.constant 5 : index
    %swap3A_123 = arith.constant 0 : index
    %swap3A_124 = vector.load %arg5[%swap3A_122, %swap3A_123] : memref<9x512xf32, #tpu.memory_space<vmem>>, vector<1x512xf32>
    %swap3A_125 = vector.shape_cast %swap3A_124 : vector<1x512xf32> to vector<512xf32>
    %swap3A_126 = vector.shape_cast %add3A_121 : vector<512xf32> to vector<1x512xf32>
    tpu.vector_store %arg5[%swap3A_122, %swap3A_123], %swap3A_126 {strides = array<i32>} : memref<9x512xf32, #tpu.memory_space<vmem>>, vector<1x512xf32>,
    %get3A_127 = arith.constant 6 : index
    %get3A_128 = arith.constant 0 : index
    %get3A_129 = vector.load %arg5[%get3A_127, %get3A_128] : memref<9x512xf32, #tpu.memory_space<vmem>>, vector<1x512xf32>
    %get3A_130 = vector.shape_cast %get3A_129 : vector<1x512xf32> to vector<512xf32>
    %eq3A_131 = arith.constant 6 : i32
    %eq3A_132 = vector.broadcast %eq3A_131 : i32 to vector<512x512xi32>
    %eq3A_133 = arith.cmpi eq, %get3A_10, %eq3A_132 : vector<512x512xi32>
    %jit3A_134 = arith.constant 0.000000e+00 : f32
    %broadcast_in_dim3A_135 = vector.broadcast %jit3A_134 : f32 to vector<512x512xf32>
    %select_n3A_136 = arith.select %eq3A_133, %mul3A_23, %broadcast_in_dim3A_135 : vector<512x512xi1>, vector<512x512xf32>
    %reduce_sum3A_137 = arith.constant dense<0.000000e+00> : vector<512xf32>
    %reduce_sum3A_138 = vector.multi_reduction <add>, %select_n3A_136, %reduce_sum3A_137 [0] : vector<512x512xf32> to vector<512xf32>
    %add3A_139 = arith.addf %get3A_130, %reduce_sum3A_138 : vector<512xf32>
    %swap3A_140 = arith.constant 6 : index
    %swap3A_141 = arith.constant 0 : index
    %swap3A_142 = vector.load %arg5[%swap3A_140, %swap3A_141] : memref<9x512xf32, #tpu.memory_space<vmem>>, vector<1x512xf32>
    %swap3A_143 = vector.shape_cast %swap3A_142 : vector<1x512xf32> to vector<512xf32>
    %swap3A_144 = vector.shape_cast %add3A_139 : vector<512xf32> to vector<1x512xf32>
    tpu.vector_store %arg5[%swap3A_140, %swap3A_141], %swap3A_144 {strides = array<i32>} : memref<9x512xf32, #tpu.memory_space<vmem>>, vector<1x512xf32>,
    %get3A_145 = arith.constant 7 : index
    %get3A_146 = arith.constant 0 : index
    %get3A_147 = vector.load %arg5[%get3A_145, %get3A_146] : memref<9x512xf32, #tpu.memory_space<vmem>>, vector<1x512xf32>
    %get3A_148 = vector.shape_cast %get3A_147 : vector<1x512xf32> to vector<512xf32>
    %eq3A_149 = arith.constant 7 : i32
    %eq3A_150 = vector.broadcast %eq3A_149 : i32 to vector<512x512xi32>
    %eq3A_151 = arith.cmpi eq, %get3A_10, %eq3A_150 : vector<512x512xi32>
    %jit3A_152 = arith.constant 0.000000e+00 : f32
    %broadcast_in_dim3A_153 = vector.broadcast %jit3A_152 : f32 to vector<512x512xf32>
    %select_n3A_154 = arith.select %eq3A_151, %mul3A_23, %broadcast_in_dim3A_153 : vector<512x512xi1>, vector<512x512xf32>
    %reduce_sum3A_155 = arith.constant dense<0.000000e+00> : vector<512xf32>
    %reduce_sum3A_156 = vector.multi_reduction <add>, %select_n3A_154, %reduce_sum3A_155 [0] : vector<512x512xf32> to vector<512xf32>
    %add3A_157 = arith.addf %get3A_148, %reduce_sum3A_156 : vector<512xf32>
    %swap3A_158 = arith.constant 7 : index
    %swap3A_159 = arith.constant 0 : index
    %swap3A_160 = vector.load %arg5[%swap3A_158, %swap3A_159] : memref<9x512xf32, #tpu.memory_space<vmem>>, vector<1x512xf32>
    %swap3A_161 = vector.shape_cast %swap3A_160 : vector<1x512xf32> to vector<512xf32>
    %swap3A_162 = vector.shape_cast %add3A_157 : vector<512xf32> to vector<1x512xf32>
    tpu.vector_store %arg5[%swap3A_158, %swap3A_159], %swap3A_162 {strides = array<i32>} : memref<9x512xf32, #tpu.memory_space<vmem>>, vector<1x512xf32>,
    %get3A_163 = arith.constant 8 : index
    %get3A_164 = arith.constant 0 : index
    %get3A_165 = vector.load %arg5[%get3A_163, %get3A_164] : memref<9x512xf32, #tpu.memory_space<vmem>>, vector<1x512xf32>
    %get3A_166 = vector.shape_cast %get3A_165 : vector<1x512xf32> to vector<512xf32>
    %reduce_sum3A_167 = arith.constant dense<0.000000e+00> : vector<512xf32>
    %reduce_sum3A_168 = vector.multi_reduction <add>, %mul3A_23, %reduce_sum3A_167 [0] : vector<512x512xf32> to vector<512xf32>
    %add3A_169 = arith.addf %get3A_166, %reduce_sum3A_168 : vector<512xf32>
    %swap3A_170 = arith.constant 8 : index
    %swap3A_171 = arith.constant 0 : index
    %swap3A_172 = vector.load %arg5[%swap3A_170, %swap3A_171] : memref<9x512xf32, #tpu.memory_space<vmem>>, vector<1x512xf32>
    %swap3A_173 = vector.shape_cast %swap3A_172 : vector<1x512xf32> to vector<512xf32>
    %swap3A_174 = vector.shape_cast %add3A_169 : vector<512xf32> to vector<1x512xf32>
    tpu.vector_store %arg5[%swap3A_170, %swap3A_171], %swap3A_174 {strides = array<i32>} : memref<9x512xf32, #tpu.memory_space<vmem>>, vector<1x512xf32>,
    %eq3A_175 = arith.constant 7 : i32
    %eq3A_176 = arith.cmpi eq, %add3A, %eq3A_175 : i32
    %convert_element_type3A_177 = arith.extui %eq3A_176 : i1 to i32
    %cond3A_178 = arith.constant 0 : i32
    %cond3A_179 = arith.cmpi ne, %convert_element_type3A_177, %cond3A_178 : i32
    scf.if %cond3A_179 {
      %get3A_180 = arith.constant 0 : index
      %get3A_181 = arith.constant 0 : index
      %get3A_182 = vector.load %arg5[%get3A_180, %get3A_181] : memref<9x512xf32, #tpu.memory_space<vmem>>, vector<9x512xf32>
      %reduce_sum3A_183 = arith.constant dense<0.000000e+00> : vector<9xf32>
      %reduce_sum3A_184 = vector.multi_reduction <add>, %get3A_182, %reduce_sum3A_183 [1] : vector<9x512xf32> to vector<9xf32>
      %slice3A = vector.extract_strided_slice %reduce_sum3A_184 {offsets = [8], sizes = [1], strides = [1]} : vector<9xf32> to vector<1xf32>
      %squeeze3A = vector.extract %slice3A[0] : f32 from vector<1xf32>
      %slice3A_185 = vector.extract_strided_slice %reduce_sum3A_184 {offsets = [0], sizes = [8], strides = [1]} : vector<9xf32> to vector<8xf32>
      %reduce_sum3A_186 = vector.shape_cast %slice3A_185 : vector<8xf32> to vector<1x8xf32>
      %reduce_sum3A_187 = arith.constant dense<0.000000e+00> : vector<1xf32>
      %reduce_sum3A_188 = vector.multi_reduction <add>, %reduce_sum3A_186, %reduce_sum3A_187 [1] : vector<1x8xf32> to vector<1xf32>
      %reduce_sum3A_189 = vector.shape_cast %reduce_sum3A_188 : vector<1xf32> to vector<1x1xf32>
      %reduce_sum3A_190 = vector.extract %reduce_sum3A_189[0, 0] : f32 from vector<1x1xf32>
      %sub3A_191 = arith.subf %squeeze3A, %reduce_sum3A_190 : f32
      %slice3A_192 = vector.extract_strided_slice %reduce_sum3A_184 {offsets = [0], sizes = [8], strides = [1]} : vector<9xf32> to vector<8xf32>
      %reshape3A = vector.broadcast %sub3A_191 : f32 to vector<1xf32>
      %concatenate3A = tpu.concatenate %slice3A_192, %reshape3A in 0 : vector<8xf32>, vector<1xf32> -> vector<9xf32>
      %swap3A_193 = arith.constant 0 : index
      %swap3A_194 = arith.constant 0 : index
      %swap3A_195 = vector.load %arg4[%swap3A_193, %swap3A_194] : memref<1x9xf32, #tpu.memory_space<vmem>>, vector<1x9xf32>
      %swap3A_196 = vector.shape_cast %swap3A_195 : vector<1x9xf32> to vector<9xf32>
      %swap3A_197 = vector.shape_cast %concatenate3A : vector<9xf32> to vector<1x9xf32>
      tpu.vector_store %arg4[%swap3A_193, %swap3A_194], %swap3A_197 {strides = array<i32>} : memref<1x9xf32, #tpu.memory_space<vmem>>, vector<1x9xf32>,
    } else {
    }
    return
  }
  func.func @transform_0(%arg0: i32, %arg1: i32) -> (i32, i32, i32, i32) {
    %c0_i32 = arith.constant 0 : i32
    %c0_i32_0 = arith.constant 0 : i32
    %c0_i32_1 = arith.constant 0 : i32
    return %arg0, %c0_i32, %arg1, %c0_i32_0 : i32, i32, i32, i32
  }
  func.func @transform_1(%arg0: i32, %arg1: i32) -> (i32, i32, i32) {
    %c0_i32 = arith.constant 0 : i32
    %c0_i32_0 = arith.constant 0 : i32
    return %arg0, %arg1, %c0_i32 : i32, i32, i32
  }
  func.func @transform_2(%arg0: i32, %arg1: i32) -> (i32, i32) {
    %c0_i32 = arith.constant 0 : i32
    %c0_i32_0 = arith.constant 0 : i32
    %c0_i32_1 = arith.constant 0 : i32
    return %c0_i32, %c0_i32_0 : i32, i32
  }
}

</mosaic_0001>

<sc_bundles>
// kernel: kernel.4.cloned.1.call-start
scs
__scs_entry_jumppad:
0x0: {  	(pc) =	sbr.rel $0x88, $3  }
0x1: {  	(tag) =	ssettag $0x0;
	lr =	simm.s32 $0x1  }
0x2: {  	[smem:$0x3F9F] =	sst lr;
	_ =	strace $0xD0000000  }
0x3: {  	_ = 	snop  }
0x4: {  	_ = 	snop  }
0x5: {  	_ = 	snop  }
0x6: {  	_ = 	snop  }
0x7: {  	_ = 	snop  }
__scs_overlays_trampoline_lowered:
0x8: {  	[smem:$0x3FAE] =	sst s0  }
0x9: {  	[smem:$0x3FAF] =	sst s1  }
0xa: {  	[smem:$0x3FB0] =	sst s2  }
0xb: {  	[smem:$0x3FB1] =	sst s3  }
0xc: {  	[smem:$0x3FB2] =	sst s4  }
0xd: {  	[smem:$0x3FB3] =	sst s5  }
0xe: {  	[smem:$0x3FB4] =	sst s6  }
0xf: {  	[smem:$0x3FB5] =	sst s7  }
0x10: {  	[smem:$0x3FB6] =	sst s8  }
0x11: {  	[smem:$0x3FB7] =	sst s9;
	s0 =	simm.s32 @!p0 $0x0  }
0x12: {  	s1 =	sld [smem:$0x3F9D];
	s0 =	simm.s32 @p0 $0x1  }
0x13: {  	[smem:$0x3FB8] =	sst s0;
	s0 =	simm.s32 @!p1 $0x0  }
0x14: {  	s2 =	sld [smem:$0x3F9C];
	s0 =	simm.s32 @p1 $0x1  }
0x15: {  	[smem:$0x3FB9] =	sst s0;
	s0 =	simm.s32 @!p2 $0x0  }
0x16: {  	s3 =	sld [smem:$0x3FDB];
	s0 =	simm.s32 @p2 $0x1  }
0x17: {  	s4 =	simm.s32 $0x1BF5;
	[smem:$0x3FBB] =	sst s0  }
0x18: {  	s0 =	sld [smem:$0x3F9E];
	_ =	swait.ge [sflag:s4], $0x0  }
0x19: {  	s7 =	sld [smem:$0x3F9F]  }
0x1a: {  	s8 =	sadd.s32 $0xFFFFE003, lr  }
0x1b: {  	s9 =	sadd.s32 $0xFFFFFEF7, lr;
	s5 =	simm.s32 $0xFFFFFFFF;
	p2 =	slt.u32 s8, $0xFFFFF086  }
0x1c: {  	p1 =	slt.u32 s9, $0xF7A;
	s5 =	simm.s32 @!p2 $0x0  }
0x1d: {  	s5 =	simm.s32 @p1 $0x1;
	p0 =	seq.s32 s7, s2  }
0x1e: {  	s7 =	smul.u32 @!p0 $0xF7A, s2;
	p2 =	seq.s32 @!p0 s5, $0x0  }
0x1f: {  	s9 =	smul.u32 $0xF7A, s1;
	s8 =	simm.s32 @!p0 $0x1BF5;
	p2 =	por !p2, p0  }
0x20: {  	[sflag:s8] =	ssyncset.s32 @!p0 $0xFFFFF086;
	s6 =	sadd.s32 @!p0 s3, s7;
	s7 =	simm.s32 @!p0 $0x108  }
0x21: {  	s3 =	sadd.s32 s3, s9;
	s6 =	sadd.s32 @!p0 $0x88, s6;
	s7 =	simm.s32 @p2 $0x1082  }
0x22: {  	[simem:s7], [sflag:s8] =	dma.local @!p0 [hbm:s6], $0xF7A  }
0x23: {  	s9 =	sor.u32 $0xD0000000, s2;
	s6 =	simm.s32 $0x108;
	_ =	swait.ge @!p0 [sflag:s8], $0x0  }
0x24: {  	s3 =	sadd.s32 $0x88, s3;
	s6 =	simm.s32 @!p1 $0x1082;
	[sflag:s4] =	ssyncset.s32 $0xFFFFF086  }
0x25: {  	[simem:s6], [sflag:s4] =	dma.local [hbm:s3], $0xF7A  }
0x26: {  	[smem:$0x3F9F] =	sst s1;
	(tag) =	ssettag s2;
	_ =	strace s9  }
0x27: {  	s1 =	sld [smem:$0x3FAF]  }
0x28: {  	s2 =	sld [smem:$0x3FB0]  }
0x29: {  	s4 =	sld [smem:$0x3FB2]  }
0x2a: {  	p0 =	seq.s32 s5, $0x0;
	s5 =	sld [smem:$0x3FB3]  }
0x2b: {  	s6 =	sld [smem:$0x3FB4]  }
0x2c: {  	s7 =	sld [smem:$0x3FB5]  }
0x2d: {  	s3 =	simm.s32 $0x108;
	s8 =	sld [smem:$0x3FB6]  }
0x2e: {  	s3 =	simm.s32 @!p0 $0x1082;
	s9 =	sld [smem:$0x3FB7]  }
0x2f: {  	lr =	sadd.s32 s0, s3;
	s0 =	sld [smem:$0x3FAE]  }
0x30: {  	s3 =	sld [smem:$0x3FB1]  }
0x31: {  	[smem:$0x3FBA] =	sst s10  }
0x32: {  	s10 =	sld [smem:$0x3FB8];
	_ =	sdelay $0x3  }
0x33: {  	p0 =	seq.s32 s10, $0x1;
	s10 =	sld [smem:$0x3FBA];
	_ =	sdelay $0x3  }
0x34: {  	[smem:$0x3FBA] =	sst s10  }
0x35: {  	s10 =	sld [smem:$0x3FB9];
	_ =	sdelay $0x3  }
0x36: {  	p1 =	seq.s32 s10, $0x1;
	s10 =	sld [smem:$0x3FBA];
	_ =	sdelay $0x3  }
0x37: {  	[smem:$0x3FBA] =	sst s10  }
0x38: {  	s10 =	sld [smem:$0x3FBB]  }
0x39: {  	_ = 	snop;
	(pc) =	sbr.ind lr, $3  }
0x3a: {  	_ = 	snop  }
0x3b: {  	_ = 	snop  }
0x3c: {  	p2 =	seq.s32 s10, $0x1;
	s10 =	sld [smem:$0x3FBA]  }
0x3d: {  	_ =	shalt  }
0x3e: {  	_ =	shalt  }
0x3f: {  	_ =	shalt  }
0x40: {  	_ =	shalt  }
0x41: {  	_ =	shalt  }
0x42: {  	_ =	shalt  }
0x43: {  	_ =	shalt  }
0x44: {  	_ =	shalt  }
0x45: {  	_ =	shalt  }
0x46: {  	_ =	shalt  }
0x47: {  	_ =	shalt  }
0x48: {  	_ =	shalt  }
0x49: {  	_ =	shalt  }
0x4a: {  	_ =	shalt  }
0x4b: {  	_ =	shalt  }
0x4c: {  	_ =	shalt  }
0x4d: {  	_ =	shalt  }
0x4e: {  	_ =	shalt  }
0x4f: {  	_ =	shalt  }
0x50: {  	_ =	shalt  }
0x51: {  	_ =	shalt  }
0x52: {  	_ =	shalt  }
0x53: {  	_ =	shalt  }
0x54: {  	_ =	shalt  }
0x55: {  	_ =	shalt  }
0x56: {  	_ =	shalt  }
0x57: {  	_ =	shalt  }
0x58: {  	_ =	shalt  }
0x59: {  	_ =	shalt  }
0x5a: {  	_ =	shalt  }
0x5b: {  	_ =	shalt  }
0x5c: {  	_ =	shalt  }
0x5d: {  	_ =	shalt  }
0x5e: {  	_ =	shalt  }
0x5f: {  	_ =	shalt  }
0x60: {  	_ =	shalt  }
0x61: {  	_ =	shalt  }
0x62: {  	_ =	shalt  }
0x63: {  	_ =	shalt  }
0x64: {  	_ =	shalt  }
0x65: {  	_ =	shalt  }
0x66: {  	_ =	shalt  }
0x67: {  	_ =	shalt  }
0x68: {  	_ =	shalt  }
0x69: {  	_ =	shalt  }
0x6a: {  	_ =	shalt  }
0x6b: {  	_ =	shalt  }
0x6c: {  	_ =	shalt  }
0x6d: {  	_ =	shalt  }
0x6e: {  	_ =	shalt  }
0x6f: {  	_ =	shalt  }
0x70: {  	_ =	shalt  }
0x71: {  	_ =	shalt  }
0x72: {  	_ =	shalt  }
0x73: {  	_ =	shalt  }
0x74: {  	_ =	shalt  }
0x75: {  	_ =	shalt  }
0x76: {  	_ =	shalt  }
0x77: {  	_ =	shalt  }
0x78: {  	_ =	shalt  }
0x79: {  	_ =	shalt  }
0x7a: {  	_ =	shalt  }
0x7b: {  	_ =	shalt  }
0x7c: {  	_ =	shalt  }
0x7d: {  	_ =	shalt  }
0x7e: {  	_ =	shalt  }
0x7f: {  	_ =	shalt  }
0x80: {  	_ =	shalt  }
0x81: {  	_ =	shalt  }
0x82: {  	_ =	shalt  }
0x83: {  	_ =	shalt  }
0x84: {  	_ =	shalt  }
0x85: {  	_ =	shalt  }
0x86: {  	_ =	shalt  }
0x87: {  	_ =	shalt  }
.Lfunc_end0:
.L_simem_size_0:
called_computation_lowered:
.L_overlay_start_0:
0x88: {  	s2 =	sld [smem:$0x3FD9]  }
0x89: {  	s3 =	sld [smem:$0x3FFE];
	_ =	sdelay $0x1  }
0x8a: {  	s1 =	srdreg.scid  }
0x8b: {  	s0 =	sand.u32 $0x1, s1  }
0x8c: {  	s16 =	sshll.u32 s0, $0xA;
	s2 =	sadd.s32 s3, s2  }
0x8d: {  	s2 =	sadd.s32 s2, s16  }
0x8e: {  	[smem:$0x3FC6] =	sst s2  }
0x8f: {  	_ = 	snop  }
0x90: {  	(tm) =	ssettm $0x1  }
0x91: {  	s17 =	sld [smem:$0x3FFB];
	_ =	sdelay $0x3  }
0x92: {  	_ =	strace s17  }
0x93: {  	s2 =	sld [smem:$0x3FFC];
	_ =	sdelay $0x3  }
0x94: {  	_ =	strace s2  }
0x95: {  	s2 =	sld [smem:$0x3FFD];
	_ =	sdelay $0x3  }
0x96: {  	_ =	strace s2  }
0x97: {  	_ =	strace $0x8FFFFFFF  }
0x98: {  	s18 =	sld [smem:$0x3FDB];
	_ =	sdelay $0x1  }
0x99: {  	s19 =	simm.s32 $_scs_section_size  }
0x9a: {  	s4 =	simm.s32 $_size__tile_overlayer_lowered;
	s5 =	simm.s32 $_tile_overlayer_lowered  }
0x9b: {  	s22 =	simm.s32 $0x1BFF;
	s21 =	sshll.u32 s5, $0x1;
	s2 =	sadd.s32 s19, s18  }
0x9c: {  	s6 =	simm.s32 $0x0;
	s20 =	sshll.u32 s4, $0x1;
	s4 =	sadd.s32 s21, s2  }
0x9d: {  	[timem:s6], [sflag:s22] =	dma.local [hbm:s4], s20  }
0x9e: {  	_ =	swait.ge [sflag:s22], s20  }
0x9f: {  	s3 =	ssub.s32 $0x0, s20;
	[sflag:s22] =	ssyncset.done $0x0  }
0xa0: {  	[sflag:s22] =	ssyncadd.s32 s3;
	_ =	sdelay $0x1  }
0xa1: {  	s23 =	simm.s32 $0x1B8B  }
0xa2: {  	_ =	swait.ge [sflag:s23], $0x1  }
0xa3: {  	[sflag:s23] =	ssyncset.done $0x0  }
0xa4: {  	s25 =	simm.s32 $0x1B8E;
	s24 =	sld [smem:$0x3FFE];
	[sflag:s23] =	ssyncadd.s32 $0xFFFFFFFF  }
0xa5: {  	s26 =	simm.s32 $execute0_lowered;
	[smem:$0x3FD2] =	sst s25  }
0xa6: {  	s4 =	sshll.u32 s26, $0x1;
	_ =	strace $0x80000046;
	[dreg:$0x1] =	wrdreg $0xFFFFFFFF  }
0xa7: {  	s28 =	simm.s32 $_size_execute0_lowered;
	s2 =	sadd.s32 s2, s4;
	[dreg:$0x0] =	wrdreg $0x0  }
0xa8: {  	s4 =	sshll.u32 s28, $0x1;
	[dreg:$0x2] =	wrdreg s2  }
0xa9: {  	[dreg:$0x3] =	wrdreg s4  }
0xaa: {  	[dreg:$0x4] =	wrdreg $0xC0  }
0xab: {  	_ =	task [dreg:s6], $0x5FFFF  }
0xac: {  	[dreg:$0x1] =	wrdreg $0xFFFFFFFF  }
0xad: {  	[dreg:$0x0] =	wrdreg $0x60  }
0xae: {  	[dreg:$0x2] =	wrdreg s24  }
0xaf: {  	[dreg:$0x3] =	wrdreg $0x9  }
0xb0: {  	_ =	task.clear_ibuf [dreg:s6], $0x4FFFF;
	_ =	strace $0x90000046  }
0xb1: {  	s29 =	simm.s32 $0x9;
	_ =	strace $0x80000048  }
0xb2: {  	_ =	swait.ge [sflag:s29], $0x1  }
0xb3: {  	[sflag:s29] =	ssyncadd.s32 $0xFFFFFFFF  }
0xb4: {  	_ =	strace $0x90000048  }
0xb5: {  	_ =	sfence  }
0xb6: {  	s30 =	sld [smem:$0x0];
	_ =	sdelay $0x2  }
0xb7: {  	s31 =	sshll.u32 s1, $0xD;
	s1 =	sshrl.u32 s1, $0x2  }
0xb8: {  	s3 =	sand.u32 $0x4000, s31;
	s1 =	sadd.s32 s1, s30  }
0xb9: {  	s0 =	sor.u32 s3, s0;
	s1 =	sshll.u32 s1, $0x11  }
0xba: {  	s0 =	sor.u32 s1, s0  }
0xbb: {  	s0 =	sadd.s32 $0x8F2B, s0  }
0xbc: {  	[sflag:s0] =	ssyncadd.remote.s32 $0x1  }
0xbd: {  	_ =	sfence.sel $0xFFFF  }
0xbe: {  	[dreg:$0x0] =	wrdreg $0xFFFFFFFF;
	(pc) =	sbr.abs _section_cstart, $3  }
0xbf: {  	[dreg:$0x1] =	wrdreg $0xFFFFFFFF  }
0xc0: {  	_ =	task.clear_ibuf [dreg:s6], $0x2FFFF;
	_ =	strace $0x9FFFFFFF  }
0xc1: {  	(tm) =	ssettm $0x7FFFFFFF  }
tec
execute0_lowered:
.L_overlay_start_1:
0x0: {  	(tag) =	ssettag $0x1  }
0x1: {  	s3 =	rddreg [dreg:$0x0]  }
0x2: {  	s0 =	rddreg [dreg:$0x1];
	s4 =	srdreg.scid  }
0x3: {  	s1 =	stileid.u32;
	s2 =	simm.s32 $0x0;
	s8 =	simm.s32 $0x10100  }
0x4: {  	s4 =	sand.u32 $0x1, s4;
	s5 =	sshll.u32 s1, $0x1;
	[smem:$0x7FF] =	sst s2  }
0x5: {  	s9 =	simm.s32 $0x0;
	s5 =	sor.u32 s4, s5;
	_ =	strace $0x80000047  }
0x6: {  	s4 =	ssub.s32 $0x2, s4;
	s6 =	sshll.u32 s5, $0xD;
	s5 =	sshll.u32 s5, $0x4  }
0x7: {  	s7 =	sshrl.u32 s4, $0x1;
	s6 =	sadd.s32 s6, s3;
	s5 =	sadd.s32 s5, s3  }
0x8: {  	v1 =	vlaneseq.u32;
	s7 =	ssub.s32 s4, s7;
	s3 =	sadd.s32 $0x200, s6;
	s4 =	sadd.s32 $0x40200, s5  }
0x9: {  	v0 =	vimm.s32 $0x0;
	v2 =	vimm.s32 $0x1;
	v1 =	vmul.u32 $0x10, v1;
	s5 =	smax.u32 s7, $0x1;
	s6 =	simm.s32 $0x1;
	s7 =	simm.s32 $0x10000  }
.LBB2_1:
0xa: {  	[tilespmem:s2], [sflag:$0x1] =	stream.linear.gather [hbm4b:s3+s2], $0x10000, $0x38;
	[tilespmem:$0x10180] =	vst v63  }
0xb: {  	_ =	swait.ge [sflag:s6], $0x10000  }
0xc: {  	[sflag:s6] =	ssyncset.done $0x0  }
0xd: {  	[sflag:s6] =	ssyncadd.s32 $0xFFFF0000  }
0xe: {  	[tilespmem:$0x10000] =	vst v0  }
0xf: {  	[tilespmem:$0x10010] =	vst v0  }
0x10: {  	[tilespmem:$0x10020] =	vst v0  }
0x11: {  	[tilespmem:$0x10030] =	vst v0  }
0x12: {  	[tilespmem:$0x10040] =	vst v0  }
0x13: {  	[tilespmem:$0x10050] =	vst v0  }
0x14: {  	[tilespmem:$0x10060] =	vst v0  }
0x15: {  	[tilespmem:$0x10070] =	vst v0  }
0x16: {  	[tilespmem:$0x10080] =	vst v0  }
0x17: {  	[tilespmem:$0x10090] =	vst v0  }
0x18: {  	[tilespmem:$0x100A0] =	vst v0  }
0x19: {  	[tilespmem:$0x100B0] =	vst v0  }
0x1a: {  	[tilespmem:$0x100C0] =	vst v0  }
0x1b: {  	[tilespmem:$0x100D0] =	vst v0  }
0x1c: {  	[tilespmem:$0x100E0] =	vst v0  }
0x1d: {  	s10 =	simm.s32 $0x0;
	[tilespmem:$0x100F0] =	vst v0  }
.LBB2_2:
0x1e: {  	s11 =	sshra.s32 s10, $0x2  }
0x1f: {  	v3 =	vld [tilespmem:s11+$0x0];
	_ =	sdelay $0x4  }
0x20: {  	v3 =	vadd.s32 v1, v3;
	_ =	sdelay $0x4  }
0x21: {  	[tilespmem:v3+s7+$0x0] =	vst.idx.add.s32.msk $0xffff, v2  }
0x22: {  	v3 =	vld [tilespmem:s11+$0x10];
	_ =	sdelay $0x4  }
0x23: {  	v3 =	vadd.s32 v1, v3;
	_ =	sdelay $0x4  }
0x24: {  	[tilespmem:v3+s7+$0x0] =	vst.idx.add.s32.msk $0xffff, v2  }
0x25: {  	v3 =	vld [tilespmem:s11+$0x20];
	_ =	sdelay $0x4  }
0x26: {  	v3 =	vadd.s32 v1, v3;
	_ =	sdelay $0x4  }
0x27: {  	[tilespmem:v3+s7+$0x0] =	vst.idx.add.s32.msk $0xffff, v2  }
0x28: {  	v3 =	vld [tilespmem:s11+$0x30];
	_ =	sdelay $0x4  }
0x29: {  	v3 =	vadd.s32 v1, v3;
	_ =	sdelay $0x4  }
0x2a: {  	[tilespmem:v3+s7+$0x0] =	vst.idx.add.s32.msk $0xffff, v2  }
0x2b: {  	v3 =	vld [tilespmem:s11+$0x40];
	_ =	sdelay $0x4  }
0x2c: {  	v3 =	vadd.s32 v1, v3;
	_ =	sdelay $0x4  }
0x2d: {  	[tilespmem:v3+s7+$0x0] =	vst.idx.add.s32.msk $0xffff, v2  }
0x2e: {  	v3 =	vld [tilespmem:s11+$0x50];
	_ =	sdelay $0x4  }
0x2f: {  	v3 =	vadd.s32 v1, v3;
	_ =	sdelay $0x4  }
0x30: {  	[tilespmem:v3+s7+$0x0] =	vst.idx.add.s32.msk $0xffff, v2  }
0x31: {  	v3 =	vld [tilespmem:s11+$0x60];
	_ =	sdelay $0x4  }
0x32: {  	v3 =	vadd.s32 v1, v3;
	_ =	sdelay $0x4  }
0x33: {  	[tilespmem:v3+s7+$0x0] =	vst.idx.add.s32.msk $0xffff, v2  }
0x34: {  	v3 =	vld [tilespmem:s11+$0x70];
	_ =	sdelay $0x4  }
0x35: {  	p0 =	sne.s32 s10, $0x3FE00;
	v3 =	vadd.s32 v1, v3  }
.Ltmp0:
0x36: {  	_ = 	snop;
	(pc) =	sbr.rel @p0 .LBB2_2-.Ltmp0, $2  }
0x37: {  	_ =	sdelay $0x2  }
0x38: {  	s10 =	sadd.s32 $0x200, s10;
	[tilespmem:v3+s7+$0x0] =	vst.idx.add.s32.msk $0xffff, v2  }
0x39: {  	v3 =	vld [tilespmem:$0x10000]  }
0x3a: {  	v4 =	vld [tilespmem:$0x10010]  }
0x3b: {  	v5 =	vld [tilespmem:$0x10020]  }
0x3c: {  	v6 =	vld [tilespmem:$0x10030]  }
0x3d: {  	v7 =	vld [tilespmem:$0x10040]  }
0x3e: {  	v8 =	vld [tilespmem:$0x10050]  }
0x3f: {  	v54 =	vld [tilespmem:$0x10060];
	v3 =	vadd.s32 v3, v4  }
0x40: {  	v55 =	vld [tilespmem:$0x10070];
	v3 =	vadd.s32 v5, v3  }
0x41: {  	v56 =	vld [tilespmem:$0x10080];
	v3 =	vadd.s32 v6, v3  }
0x42: {  	v57 =	vld [tilespmem:$0x10090];
	v3 =	vadd.s32 v7, v3  }
0x43: {  	v58 =	vld [tilespmem:$0x100A0];
	v3 =	vadd.s32 v8, v3  }
0x44: {  	v59 =	vld [tilespmem:$0x100B0];
	v3 =	vadd.s32 v54, v3  }
0x45: {  	v60 =	vld [tilespmem:$0x100C0];
	v3 =	vadd.s32 v55, v3  }
0x46: {  	v61 =	vld [tilespmem:$0x100D0];
	v3 =	vadd.s32 v56, v3  }
0x47: {  	v62 =	vld [tilespmem:$0x100E0];
	v3 =	vadd.s32 v57, v3  }
0x48: {  	v63 =	vld [tilespmem:$0x100F0];
	v3 =	vadd.s32 v58, v3  }
0x49: {  	v3 =	vadd.s32 v59, v3  }
0x4a: {  	v3 =	vadd.s32 v60, v3  }
0x4b: {  	v3 =	vadd.s32 v61, v3  }
0x4c: {  	s9 =	sadd.s32 $0x1, s9;
	v3 =	vadd.s32 v62, v3  }
0x4d: {  	p0 =	sne.s32 s9, s5;
	v3 =	vadd.s32 v63, v3  }
.Ltmp1:
0x4e: {  	[tilespmem:$0x10100] =	vst v3;
	(pc) =	sbr.rel @p0 .LBB2_1-.Ltmp1, $4  }
0x4f: {  	[hbm4b:s4+s2] =	stream.linear.scatter [tilespmem:s8], [sflag:$0x1], $0x80, $0x38;
	[tilespmem:$0x10180] =	vst v63  }
0x50: {  	_ =	swait.ge [sflag:s6], $0x80  }
0x51: {  	[sflag:s6] =	ssyncset.done $0x0  }
0x52: {  	[sflag:s6] =	ssyncadd.s32 $0xFFFFFF80  }
0x53: {  	_ =	sfence.sel $0x180000  }
0x54: {  	[bflag:$0x0] =	sbarrier.arrive $0xFFFF  }
0x55: {  	p0 =	sne.s32 s1, $0x0;
	_ =	strace $0x90000047  }
0x56: {  	s0 =	sadd.s32 @!p0 $0x100000, s0;
	[bflag:$0x2] =	sbarrier.arrive $0xFFFF  }
0x57: {  	[sflag:s0] =	ssyncadd.tile.s32 @!p0 $0x1;
	_ =	shalt  }
.Lfunc_end2:
_tile_overlayer_lowered:
.L_overlay_start_2:
0x58: {  	(tag) =	ssettag $0x2  }
0x59: {  	s0 =	rddreg [dreg:$0x0];
	s2 =	stileid.u32  }
0x5a: {  	s1 =	rddreg [dreg:$0x1];
	p0 =	sne.s32 s2, $0x0  }
0x5b: {  	s3 =	rddreg [dreg:$0x2];
	[bflag:$0x3] =	sbarrier.arrive $0xFFFF;
	s2 =	simm.s32 @!p0 $0x1C01  }
0x5c: {  	[timem:s3], [sflag:s2] =	dma.local @!p0 [hbm:s0], s1  }
0x5d: {  	s0 =	simm.s32 @!p0 $0x1  }
0x5e: {  	_ =	swait.ge @!p0 [sflag:s0], s1  }
0x5f: {  	s1 =	ssub.s32 @!p0 $0x0, s1;
	[sflag:s0] =	ssyncset.done @!p0 $0x0  }
0x60: {  	[sflag:s0] =	ssyncadd.s32 @!p0 s1  }
0x61: {  	[bflag:$0x3] =	sbarrier.arrive $0xFFFF  }
0x62: {  	_ =	shalt  }

</sc_bundles>
